<compile_context>
chip_gen: v7x
topology: tpu7x:2x2x1
jax: 0.10.2.dev20260603
libtpu: 0.0.44.dev20260713+nightly
codegen_flags: <defaults>
</compile_context>

<pallas_src>
import functools

import jax
import jax.numpy as jnp
from jax import lax
from jax.experimental import pallas as pl
from jax.experimental.pallas import tpu as pltpu
from jax.experimental.pallas import tpu_sc as plsc

B = 16384
NF = 26
ED = 64
NV = 1000000
PF = 32
NW = 32
BPW = B // NW
LANES = 16

GRP_B = 16
GRP_L = GRP_B * NF
CH = 104
NSUB = GRP_L // CH
NGRP = BPW // GRP_B


QC = 128
NQ = BPW // QC


def _bag_body(pflat_hbm, fidx_hbm, out_hbm,
              idx_v, val_v, out_v, sem):
    nc = lax.axis_size("c")
    wid = lax.axis_index("s") * nc + lax.axis_index("c")
    base_b = wid * BPW

    pltpu.sync_copy(fidx_hbm.at[:, pl.ds(base_b, BPW)], idx_v)

    def fire(j, carry):
        f = j // NQ
        q = j % NQ
        pltpu.async_copy(
            pflat_hbm.at[idx_v.at[f, pl.ds(q * QC, QC)]],
            val_v.at[f, pl.ds(q * QC, QC)], sem)
        return carry

    lax.fori_loop(0, NF * NQ, fire, 0)

    def drain(j, carry):
        f = j // NQ
        q = j % NQ
        pltpu.make_async_copy(
            pflat_hbm.at[pl.ds(0, QC)],
            val_v.at[f, pl.ds(q * QC, QC)], sem).wait()
        return carry

    lax.fori_loop(0, NF * NQ, drain, 0)

    def reduce_body(t, carry):
        acc = val_v[0, pl.ds(t * LANES, LANES)]
        for f in range(1, NF):
            acc = acc + val_v[f, pl.ds(t * LANES, LANES)]
        out_v[pl.ds(t * LANES, LANES)] = acc
        return carry

    lax.fori_loop(0, BPW // LANES, reduce_body, 0)
    pltpu.sync_copy(out_v, out_hbm.at[pl.ds(base_b, BPW)])


@functools.cache
def _bag_fn():
    mesh = plsc.VectorSubcoreMesh(core_axis_name="c", subcore_axis_name="s")
    return pl.kernel(
        _bag_body,
        out_type=jax.ShapeDtypeStruct((B,), jnp.float32),
        mesh=mesh,
        compiler_params=pltpu.CompilerParams(
            needs_layout_passes=False, use_tc_tiling_on_sc=False),
        scratch_types=[
            pltpu.VMEM((NF, BPW), jnp.int32),
            pltpu.VMEM((NF, BPW), jnp.float32),
            pltpu.VMEM((BPW,), jnp.float32),
            pltpu.SemaphoreType.DMA,
        ],
    )


RCHUNK = 8192
NRBLK = -(-NV // RCHUNK)
NVP = NRBLK * RCHUNK


def _proj_body(tT_ref, w4e_ref, out_ref):
    tT = tT_ref[...]
    w = w4e_ref[...]
    pjT = lax.dot_general(
        w, tT, (((1,), (0,)), ((), ())),
        preferred_element_type=jnp.float32)
    out_ref[...] = pjT.reshape(NF, RCHUNK // 128, 128)


def _proj(tT, w4e):
    return pl.pallas_call(
        _proj_body,
        grid=(NRBLK,),
        in_specs=[
            pl.BlockSpec((ED, RCHUNK), lambda i: (0, i)),
            pl.BlockSpec((NF, ED), lambda i: (0, 0)),
        ],
        out_specs=pl.BlockSpec(
            (NF, RCHUNK // 128, 128), lambda i: (0, i, 0)),
        out_shape=jax.ShapeDtypeStruct(
            (NF, NVP // 128, 128), jnp.float32),
    )(tT, w4e)


MLP_BLK = 1024


def _mlp_body(x_ref, w1_ref, b1_ref, w2_ref, b2_ref, w3_ref, b3_ref,
              w4d_ref, b4_ref, out_ref):
    x = x_ref[...]
    cdot = lambda a, b: lax.dot_general(
        a, b, (((0,), (0,)), ((), ())),
        preferred_element_type=jnp.float32)
    h1 = jnp.maximum(
        lax.dot_general(w1_ref[...], x, (((0,), (1,)), ((), ())),
                        preferred_element_type=jnp.float32)
        + b1_ref[...], 0.0)
    h2 = jnp.maximum(cdot(w2_ref[...], h1) + b2_ref[...], 0.0)
    v = jnp.dot(w3_ref[...], w4d_ref[...],
                preferred_element_type=jnp.float32)
    c = (jnp.dot(b3_ref[...], w4d_ref[...],
                 preferred_element_type=jnp.float32)
         + b4_ref[...])
    out_ref[0] = cdot(v, h2) + c


def _mlp(dense_in, W1, b1, W2, b2, W3, b3, w4d, b4):
    full = lambda s: pl.BlockSpec(s, lambda i: (0, 0))
    return pl.pallas_call(
        _mlp_body,
        grid=(B // MLP_BLK,),
        in_specs=[
            pl.BlockSpec((MLP_BLK, 13), lambda i: (i, 0)),
            full((13, 256)), full((256, 1)),
            full((256, 256)), full((256, 1)),
            full((256, 256)), full((1, 256)),
            full((256, 1)), full((1, 1)),
        ],
        out_specs=pl.BlockSpec((1, 1, MLP_BLK), lambda i: (i, 0, 0)),
        out_shape=jax.ShapeDtypeStruct((B // MLP_BLK, 1, MLP_BLK),
                                       jnp.float32),
    )(dense_in, W1, b1.reshape(256, 1), W2, b2.reshape(256, 1),
      W3, b3.reshape(1, 256), w4d, b4.reshape(1, 1))


def kernel(dense_in, sparse_idx, W1, b1, W2, b2, W3, b3, W4, b4, table):
    idx32 = sparse_idx.astype(jnp.int32)
    fidx2 = (jnp.swapaxes(idx32, 0, 1)
             + jnp.arange(NF, dtype=jnp.int32)[:, None] * NVP)
    tT = jnp.swapaxes(table, 0, 1)
    w4e = W4[: NF * ED, 0].reshape(NF, ED)
    w4d = W4[NF * ED :, :]
    proj2d = _proj(tT, w4e)
    pflat = proj2d.reshape(-1)
    emb = _bag_fn()(pflat, fidx2)
    dense = _mlp(dense_in, W1, b1, W2, b2, W3, b3, w4d, b4)
    return (dense.reshape(B) + emb)[:, None]

# --- scband reference (transcript-rebuilt; emitter-appended) ---
"""Pipeline reference for scband-criteo-network-34153579937818 (READ-ONLY COPY).

The authoritative reference and input builder live on the scoring server;
editing this copy changes nothing except your own understanding.
"""

import jax, jax.numpy as jnp
import numpy as np

FEATURE_DIM = 1000000
EMBED_DIM = 64
BATCH = 16384
N_SPARSE = 26

def setup_inputs(seed: int = 0) -> dict:
    key = jax.random.key(seed)
    ks = jax.random.split(key, 12)
    dense_in = jax.random.normal(ks[0], (BATCH, 13), dtype=jnp.float32)
    sparse_idx = jax.random.randint(ks[1], (BATCH, N_SPARSE), 0, FEATURE_DIM, dtype=jnp.int64)
    # Linear params stored as [in, out] (transposed vs torch)
    W1 = jax.random.normal(ks[2], (13, 256), dtype=jnp.float32) * (1.0 / np.sqrt(13))
    b1 = jnp.zeros((256,), dtype=jnp.float32)
    W2 = jax.random.normal(ks[3], (256, 256), dtype=jnp.float32) * (1.0 / np.sqrt(256))
    b2 = jnp.zeros((256,), dtype=jnp.float32)
    W3 = jax.random.normal(ks[4], (256, 256), dtype=jnp.float32) * (1.0 / np.sqrt(256))
    b3 = jnp.zeros((256,), dtype=jnp.float32)
    W4 = jax.random.normal(ks[5], (256 + N_SPARSE * EMBED_DIM, 1), dtype=jnp.float32) * (1.0 / np.sqrt(256 + N_SPARSE * EMBED_DIM))
    b4 = jnp.zeros((1,), dtype=jnp.float32)
    table = jax.random.normal(ks[6], (FEATURE_DIM, EMBED_DIM), dtype=jnp.float32)
    return {"dense_in": dense_in, "sparse_idx": sparse_idx, "W1": W1, "b1": b1, "W2": W2, "b2": b2, "W3": W3, "b3": b3, "W4": W4, "b4": b4, "table": table}

def reference(dense_in, sparse_idx, W1, b1, W2, b2, W3, b3, W4, b4, table):
    r1 = dense_in @ W1 + b1
    relu1 = jax.nn.relu(r1)
    relu2 = jax.nn.relu(relu1 @ W2 + b2)
    y3 = relu2 @ W3 + b3
    embs = jnp.take(table, sparse_idx, axis=0)  # [B, 26, E]
    flat_embeddings = embs.reshape(embs.shape[0], -1)  # [B, 26*E]
    y4 = jnp.concatenate((flat_embeddings, y3), axis=1)
    y = y4 @ W4 + b4
    return y

if __name__ == "__main__":
    import jax
    _d = setup_inputs()
    print(jax.jit(kernel)(*tuple(_d.values())))

</pallas_src>

<mosaic_0001>
#map = affine_map<(d0, d1) -> (0)>
#map1 = affine_map<(d0, d1) -> (0, 0)>
module attributes {stable_mosaic.version = 14 : i64} {
  func.func @_bag_body(%arg0: i32, %arg1: i32, %arg2: memref<26198016xf32, #tpu.memory_space<hbm>>, %arg3: memref<26x16384xi32, #tpu.memory_space<hbm>>, %arg4: memref<16384xf32, #tpu.memory_space<hbm>>, %arg5: memref<26x512xi32, #tpu.memory_space<vmem>>, %arg6: memref<26x512xf32, #tpu.memory_space<vmem>>, %arg7: memref<512xf32, #tpu.memory_space<vmem>>, %arg8: memref<!tpu.dma_semaphore, #tpu.memory_space<semaphore_mem>>) attributes {dimension_semantics = [#tpu.dimension_semantics<core_parallel>, #tpu.dimension_semantics<subcore_parallel>], iteration_bounds = array<i64: 2, 16>, scalar_prefetch = 0 : i64, scratch_operands = 4 : i64, tpu.core_type = #tpu.core_type<sc_vector_subcore>, window_params = [{transform_indices = #map}, {transform_indices = #map1}, {transform_indices = #map}]} {
    %mul3A = arith.constant 2 : i32
    %mul3A_0 = arith.muli %arg1, %mul3A : i32
    %add3A = arith.addi %mul3A_0, %arg0 : i32
    %mul3A_1 = arith.constant 512 : i32
    %mul3A_2 = arith.muli %add3A, %mul3A_1 : i32
    "tpu.region"() ({
      %run_scoped3A = tpu.sem_alloc : memref<!tpu.dma_semaphore, #tpu.memory_space<semaphore_mem>>
      %dma_start3A = arith.constant 0 : i32
      %dma_start3A_20 = tpu.memref_slice %arg3[%dma_start3A, %mul3A_2] : memref<26x16384xi32, #tpu.memory_space<hbm>> -> memref<26x512xi32, #tpu.memory_space<hbm>>
      %dma_start3A_21 = arith.constant 0 : i32
      %dma_start3A_22 = tpu.memref_slice %arg3[%dma_start3A_21, %mul3A_2] : memref<26x16384xi32, #tpu.memory_space<hbm>> -> memref<26x512xi32, #tpu.memory_space<hbm>>
      tpu.enqueue_dma source(%dma_start3A_22 : memref<26x512xi32, #tpu.memory_space<hbm>>) target(%arg5 : memref<26x512xi32, #tpu.memory_space<vmem>>) target_semaphore(%run_scoped3A : memref<!tpu.dma_semaphore, #tpu.memory_space<semaphore_mem>>)
      %dma_wait3A = arith.constant 0 : i32
      %dma_wait3A_23 = tpu.memref_slice %arg3[%dma_wait3A, %mul3A_2] : memref<26x16384xi32, #tpu.memory_space<hbm>> -> memref<26x512xi32, #tpu.memory_space<hbm>>
      %dma_wait3A_24 = arith.constant 0 : i32
      %dma_wait3A_25 = tpu.memref_slice %arg3[%dma_wait3A_24, %mul3A_2] : memref<26x16384xi32, #tpu.memory_space<hbm>> -> memref<26x512xi32, #tpu.memory_space<hbm>>
      tpu.wait_dma2 semaphore(%run_scoped3A : memref<!tpu.dma_semaphore, #tpu.memory_space<semaphore_mem>>) src(%dma_wait3A_25 : memref<26x512xi32, #tpu.memory_space<hbm>>) dst(%arg5 : memref<26x512xi32, #tpu.memory_space<vmem>>)
      tpu.yield
    }) : () -> ()
    %scan3A = arith.constant 0 : i32
    %scan3A_3 = arith.constant 0 : i32
    %scan3A_4 = arith.constant 104 : i32
    %scan3A_5 = arith.addi %scan3A_3, %scan3A_4 : i32
    %scan3A_6 = arith.constant 1 : i32
    scf.for %scan3A_20 = %scan3A_3 to %scan3A_5 step %scan3A_6  : i32 {
      %jit3A = arith.constant 4 : i32
      %div3A = arith.divsi %scan3A_20, %jit3A : i32
      %sign3A = arith.constant 0 : i32
      %sign3A_21 = arith.cmpi sgt, %scan3A_20, %sign3A : i32
      %sign3A_22 = arith.extui %sign3A_21 : i1 to i32
      %sign3A_23 = arith.constant 0 : i32
      %sign3A_24 = arith.cmpi slt, %scan3A_20, %sign3A_23 : i32
      %sign3A_25 = arith.extui %sign3A_24 : i1 to i32
      %sign3A_26 = arith.subi %sign3A_22, %sign3A_25 : i32
      %sign3A_27 = arith.constant 0 : i32
      %sign3A_28 = arith.cmpi sgt, %jit3A, %sign3A_27 : i32
      %sign3A_29 = arith.extui %sign3A_28 : i1 to i32
      %sign3A_30 = arith.constant 0 : i32
      %sign3A_31 = arith.cmpi slt, %jit3A, %sign3A_30 : i32
      %sign3A_32 = arith.extui %sign3A_31 : i1 to i32
      %sign3A_33 = arith.subi %sign3A_29, %sign3A_32 : i32
      %ne3A = arith.cmpi ne, %sign3A_26, %sign3A_33 : i32
      %rem3A = arith.remsi %scan3A_20, %jit3A : i32
      %ne3A_34 = arith.constant 0 : i32
      %ne3A_35 = arith.cmpi ne, %rem3A, %ne3A_34 : i32
      %and3A = arith.andi %ne3A, %ne3A_35 : i1
      %sub3A = arith.constant 1 : i32
      %sub3A_36 = arith.subi %div3A, %sub3A : i32
      %select_n3A = arith.select %and3A, %sub3A_36, %div3A : i32
      %jit3A_37 = arith.constant 4 : i32
      %eq3A = arith.constant 0 : i32
      %eq3A_38 = arith.cmpi eq, %jit3A_37, %eq3A : i32
      %jit3A_39 = arith.constant 1 : i32
      %select_n3A_40 = arith.select %eq3A_38, %jit3A_39, %jit3A_37 : i32
      %rem3A_41 = arith.remsi %scan3A_20, %select_n3A_40 : i32
      %ne3A_42 = arith.constant 0 : i32
      %ne3A_43 = arith.cmpi ne, %rem3A_41, %ne3A_42 : i32
      %lt3A = arith.constant 0 : i32
      %lt3A_44 = arith.cmpi slt, %rem3A_41, %lt3A : i32
      %lt3A_45 = arith.constant 0 : i32
      %lt3A_46 = arith.cmpi slt, %select_n3A_40, %lt3A_45 : i32
      %ne3A_47 = arith.xori %lt3A_44, %lt3A_46 : i1
      %and3A_48 = arith.andi %ne3A_47, %ne3A_43 : i1
      %add3A_49 = arith.addi %rem3A_41, %select_n3A_40 : i32
      %select_n3A_50 = arith.select %and3A_48, %add3A_49, %rem3A_41 : i32
      %mul3A_51 = arith.constant 128 : i32
      %mul3A_52 = arith.muli %select_n3A_50, %mul3A_51 : i32
      %mul3A_53 = arith.constant 128 : i32
      %mul3A_54 = arith.muli %select_n3A_50, %mul3A_53 : i32
      %dma_start3A = tpu.memref_slice %arg6[%select_n3A, %mul3A_54] : memref<26x512xf32, #tpu.memory_space<vmem>> -> memref<1x128xf32, #tpu.memory_space<vmem>>
      %dma_start3A_55 = tpu.memref_squeeze %dma_start3A : memref<1x128xf32, #tpu.memory_space<vmem>> -> memref<128xf32, #tpu.memory_space<vmem>>
      %dma_start3A_56 = tpu.memref_slice %arg5[%select_n3A, %mul3A_52] : memref<26x512xi32, #tpu.memory_space<vmem>> -> memref<1x128xi32, #tpu.memory_space<vmem>>
      %dma_start3A_57 = tpu.memref_squeeze %dma_start3A_56 : memref<1x128xi32, #tpu.memory_space<vmem>> -> memref<128xi32, #tpu.memory_space<vmem>>
      %dma_start3A_58 = arith.constant 0 : i32
      %dma_start3A_59 = tpu.memref_slice %arg2[%dma_start3A_58] : memref<26198016xf32, #tpu.memory_space<hbm>> -> memref<26198016xf32, #tpu.memory_space<hbm>>
      tpu.enqueue_indirect_dma source(%dma_start3A_59 : memref<26198016xf32, #tpu.memory_space<hbm>>) target(%dma_start3A_55 : memref<128xf32, #tpu.memory_space<vmem>>) offsets(%dma_start3A_57 : memref<128xi32, #tpu.memory_space<vmem>>) semaphore(%arg8 : memref<!tpu.dma_semaphore, #tpu.memory_space<semaphore_mem>>)
    }
    %scan3A_7 = arith.constant 104 : i32
    %scan3A_8 = arith.constant 0 : i32
    %scan3A_9 = arith.constant 0 : i32
    %scan3A_10 = arith.constant 104 : i32
    %scan3A_11 = arith.addi %scan3A_9, %scan3A_10 : i32
    %scan3A_12 = arith.constant 1 : i32
    scf.for %scan3A_20 = %scan3A_9 to %scan3A_11 step %scan3A_12  : i32 {
      %jit3A = arith.constant 4 : i32
      %div3A = arith.divsi %scan3A_20, %jit3A : i32
      %sign3A = arith.constant 0 : i32
      %sign3A_21 = arith.cmpi sgt, %scan3A_20, %sign3A : i32
      %sign3A_22 = arith.extui %sign3A_21 : i1 to i32
      %sign3A_23 = arith.constant 0 : i32
      %sign3A_24 = arith.cmpi slt, %scan3A_20, %sign3A_23 : i32
      %sign3A_25 = arith.extui %sign3A_24 : i1 to i32
      %sign3A_26 = arith.subi %sign3A_22, %sign3A_25 : i32
      %sign3A_27 = arith.constant 0 : i32
      %sign3A_28 = arith.cmpi sgt, %jit3A, %sign3A_27 : i32
      %sign3A_29 = arith.extui %sign3A_28 : i1 to i32
      %sign3A_30 = arith.constant 0 : i32
      %sign3A_31 = arith.cmpi slt, %jit3A, %sign3A_30 : i32
      %sign3A_32 = arith.extui %sign3A_31 : i1 to i32
      %sign3A_33 = arith.subi %sign3A_29, %sign3A_32 : i32
      %ne3A = arith.cmpi ne, %sign3A_26, %sign3A_33 : i32
      %rem3A = arith.remsi %scan3A_20, %jit3A : i32
      %ne3A_34 = arith.constant 0 : i32
      %ne3A_35 = arith.cmpi ne, %rem3A, %ne3A_34 : i32
      %and3A = arith.andi %ne3A, %ne3A_35 : i1
      %sub3A = arith.constant 1 : i32
      %sub3A_36 = arith.subi %div3A, %sub3A : i32
      %select_n3A = arith.select %and3A, %sub3A_36, %div3A : i32
      %jit3A_37 = arith.constant 4 : i32
      %eq3A = arith.constant 0 : i32
      %eq3A_38 = arith.cmpi eq, %jit3A_37, %eq3A : i32
      %jit3A_39 = arith.constant 1 : i32
      %select_n3A_40 = arith.select %eq3A_38, %jit3A_39, %jit3A_37 : i32
      %rem3A_41 = arith.remsi %scan3A_20, %select_n3A_40 : i32
      %ne3A_42 = arith.constant 0 : i32
      %ne3A_43 = arith.cmpi ne, %rem3A_41, %ne3A_42 : i32
      %lt3A = arith.constant 0 : i32
      %lt3A_44 = arith.cmpi slt, %rem3A_41, %lt3A : i32
      %lt3A_45 = arith.constant 0 : i32
      %lt3A_46 = arith.cmpi slt, %select_n3A_40, %lt3A_45 : i32
      %ne3A_47 = arith.xori %lt3A_44, %lt3A_46 : i1
      %and3A_48 = arith.andi %ne3A_47, %ne3A_43 : i1
      %add3A_49 = arith.addi %rem3A_41, %select_n3A_40 : i32
      %select_n3A_50 = arith.select %and3A_48, %add3A_49, %rem3A_41 : i32
      %mul3A_51 = arith.constant 128 : i32
      %mul3A_52 = arith.muli %select_n3A_50, %mul3A_51 : i32
      %dma_wait3A = tpu.memref_slice %arg6[%select_n3A, %mul3A_52] : memref<26x512xf32, #tpu.memory_space<vmem>> -> memref<1x128xf32, #tpu.memory_space<vmem>>
      %dma_wait3A_53 = tpu.memref_squeeze %dma_wait3A : memref<1x128xf32, #tpu.memory_space<vmem>> -> memref<128xf32, #tpu.memory_space<vmem>>
      %dma_wait3A_54 = arith.constant 0 : i32
      %dma_wait3A_55 = tpu.memref_slice %arg2[%dma_wait3A_54] : memref<26198016xf32, #tpu.memory_space<hbm>> -> memref<128xf32, #tpu.memory_space<hbm>>
      %dma_wait3A_56 = tpu.memref_slice %arg6[%select_n3A, %mul3A_52] : memref<26x512xf32, #tpu.memory_space<vmem>> -> memref<1x128xf32, #tpu.memory_space<vmem>>
      %dma_wait3A_57 = tpu.memref_squeeze %dma_wait3A_56 : memref<1x128xf32, #tpu.memory_space<vmem>> -> memref<128xf32, #tpu.memory_space<vmem>>
      %dma_wait3A_58 = arith.constant 0 : i32
      %dma_wait3A_59 = tpu.memref_slice %arg2[%dma_wait3A_58] : memref<26198016xf32, #tpu.memory_space<hbm>> -> memref<128xf32, #tpu.memory_space<hbm>>
      tpu.wait_dma2 semaphore(%arg8 : memref<!tpu.dma_semaphore, #tpu.memory_space<semaphore_mem>>) src(%dma_wait3A_59 : memref<128xf32, #tpu.memory_space<hbm>>) dst(%dma_wait3A_57 : memref<128xf32, #tpu.memory_space<vmem>>)
    }
    %scan3A_13 = arith.constant 104 : i32
    %scan3A_14 = arith.constant 0 : i32
    %scan3A_15 = arith.constant 0 : i32
    %scan3A_16 = arith.constant 32 : i32
    %scan3A_17 = arith.addi %scan3A_15, %scan3A_16 : i32
    %scan3A_18 = arith.constant 1 : i32
    scf.for %scan3A_20 = %scan3A_15 to %scan3A_17 step %scan3A_18  : i32 {
      %mul3A_21 = arith.constant 16 : i32
      %mul3A_22 = arith.muli %scan3A_20, %mul3A_21 : i32
      %get3A = arith.constant 0 : i32
      %get3A_23 = arith.index_cast %get3A : i32 to index
      %get3A_24 = arith.index_cast %mul3A_22 : i32 to index
      %get3A_25 = tpu.vector_load %arg6[%get3A_23, %get3A_24] {strides = array<i32>} : memref<26x512xf32, #tpu.memory_space<vmem>>, vector<16xf32>,
      %mul3A_26 = arith.constant 16 : i32
      %mul3A_27 = arith.muli %scan3A_20, %mul3A_26 : i32
      %get3A_28 = arith.constant 1 : i32
      %get3A_29 = arith.index_cast %get3A_28 : i32 to index
      %get3A_30 = arith.index_cast %mul3A_27 : i32 to index
      %get3A_31 = tpu.vector_load %arg6[%get3A_29, %get3A_30] {strides = array<i32>} : memref<26x512xf32, #tpu.memory_space<vmem>>, vector<16xf32>,
      %add3A_32 = arith.addf %get3A_25, %get3A_31 : vector<16xf32>
      %mul3A_33 = arith.constant 16 : i32
      %mul3A_34 = arith.muli %scan3A_20, %mul3A_33 : i32
      %get3A_35 = arith.constant 2 : i32
      %get3A_36 = arith.index_cast %get3A_35 : i32 to index
      %get3A_37 = arith.index_cast %mul3A_34 : i32 to index
      %get3A_38 = tpu.vector_load %arg6[%get3A_36, %get3A_37] {strides = array<i32>} : memref<26x512xf32, #tpu.memory_space<vmem>>, vector<16xf32>,
      %add3A_39 = arith.addf %add3A_32, %get3A_38 : vector<16xf32>
      %mul3A_40 = arith.constant 16 : i32
      %mul3A_41 = arith.muli %scan3A_20, %mul3A_40 : i32
      %get3A_42 = arith.constant 3 : i32
      %get3A_43 = arith.index_cast %get3A_42 : i32 to index
      %get3A_44 = arith.index_cast %mul3A_41 : i32 to index
      %get3A_45 = tpu.vector_load %arg6[%get3A_43, %get3A_44] {strides = array<i32>} : memref<26x512xf32, #tpu.memory_space<vmem>>, vector<16xf32>,
      %add3A_46 = arith.addf %add3A_39, %get3A_45 : vector<16xf32>
      %mul3A_47 = arith.constant 16 : i32
      %mul3A_48 = arith.muli %scan3A_20, %mul3A_47 : i32
      %get3A_49 = arith.constant 4 : i32
      %get3A_50 = arith.index_cast %get3A_49 : i32 to index
      %get3A_51 = arith.index_cast %mul3A_48 : i32 to index
      %get3A_52 = tpu.vector_load %arg6[%get3A_50, %get3A_51] {strides = array<i32>} : memref<26x512xf32, #tpu.memory_space<vmem>>, vector<16xf32>,
      %add3A_53 = arith.addf %add3A_46, %get3A_52 : vector<16xf32>
      %mul3A_54 = arith.constant 16 : i32
      %mul3A_55 = arith.muli %scan3A_20, %mul3A_54 : i32
      %get3A_56 = arith.constant 5 : i32
      %get3A_57 = arith.index_cast %get3A_56 : i32 to index
      %get3A_58 = arith.index_cast %mul3A_55 : i32 to index
      %get3A_59 = tpu.vector_load %arg6[%get3A_57, %get3A_58] {strides = array<i32>} : memref<26x512xf32, #tpu.memory_space<vmem>>, vector<16xf32>,
      %add3A_60 = arith.addf %add3A_53, %get3A_59 : vector<16xf32>
      %mul3A_61 = arith.constant 16 : i32
      %mul3A_62 = arith.muli %scan3A_20, %mul3A_61 : i32
      %get3A_63 = arith.constant 6 : i32
      %get3A_64 = arith.index_cast %get3A_63 : i32 to index
      %get3A_65 = arith.index_cast %mul3A_62 : i32 to index
      %get3A_66 = tpu.vector_load %arg6[%get3A_64, %get3A_65] {strides = array<i32>} : memref<26x512xf32, #tpu.memory_space<vmem>>, vector<16xf32>,
      %add3A_67 = arith.addf %add3A_60, %get3A_66 : vector<16xf32>
      %mul3A_68 = arith.constant 16 : i32
      %mul3A_69 = arith.muli %scan3A_20, %mul3A_68 : i32
      %get3A_70 = arith.constant 7 : i32
      %get3A_71 = arith.index_cast %get3A_70 : i32 to index
      %get3A_72 = arith.index_cast %mul3A_69 : i32 to index
      %get3A_73 = tpu.vector_load %arg6[%get3A_71, %get3A_72] {strides = array<i32>} : memref<26x512xf32, #tpu.memory_space<vmem>>, vector<16xf32>,
      %add3A_74 = arith.addf %add3A_67, %get3A_73 : vector<16xf32>
      %mul3A_75 = arith.constant 16 : i32
      %mul3A_76 = arith.muli %scan3A_20, %mul3A_75 : i32
      %get3A_77 = arith.constant 8 : i32
      %get3A_78 = arith.index_cast %get3A_77 : i32 to index
      %get3A_79 = arith.index_cast %mul3A_76 : i32 to index
      %get3A_80 = tpu.vector_load %arg6[%get3A_78, %get3A_79] {strides = array<i32>} : memref<26x512xf32, #tpu.memory_space<vmem>>, vector<16xf32>,
      %add3A_81 = arith.addf %add3A_74, %get3A_80 : vector<16xf32>
      %mul3A_82 = arith.constant 16 : i32
      %mul3A_83 = arith.muli %scan3A_20, %mul3A_82 : i32
      %get3A_84 = arith.constant 9 : i32
      %get3A_85 = arith.index_cast %get3A_84 : i32 to index
      %get3A_86 = arith.index_cast %mul3A_83 : i32 to index
      %get3A_87 = tpu.vector_load %arg6[%get3A_85, %get3A_86] {strides = array<i32>} : memref<26x512xf32, #tpu.memory_space<vmem>>, vector<16xf32>,
      %add3A_88 = arith.addf %add3A_81, %get3A_87 : vector<16xf32>
      %mul3A_89 = arith.constant 16 : i32
      %mul3A_90 = arith.muli %scan3A_20, %mul3A_89 : i32
      %get3A_91 = arith.constant 10 : i32
      %get3A_92 = arith.index_cast %get3A_91 : i32 to index
      %get3A_93 = arith.index_cast %mul3A_90 : i32 to index
      %get3A_94 = tpu.vector_load %arg6[%get3A_92, %get3A_93] {strides = array<i32>} : memref<26x512xf32, #tpu.memory_space<vmem>>, vector<16xf32>,
      %add3A_95 = arith.addf %add3A_88, %get3A_94 : vector<16xf32>
      %mul3A_96 = arith.constant 16 : i32
      %mul3A_97 = arith.muli %scan3A_20, %mul3A_96 : i32
      %get3A_98 = arith.constant 11 : i32
      %get3A_99 = arith.index_cast %get3A_98 : i32 to index
      %get3A_100 = arith.index_cast %mul3A_97 : i32 to index
      %get3A_101 = tpu.vector_load %arg6[%get3A_99, %get3A_100] {strides = array<i32>} : memref<26x512xf32, #tpu.memory_space<vmem>>, vector<16xf32>,
      %add3A_102 = arith.addf %add3A_95, %get3A_101 : vector<16xf32>
      %mul3A_103 = arith.constant 16 : i32
      %mul3A_104 = arith.muli %scan3A_20, %mul3A_103 : i32
      %get3A_105 = arith.constant 12 : i32
      %get3A_106 = arith.index_cast %get3A_105 : i32 to index
      %get3A_107 = arith.index_cast %mul3A_104 : i32 to index
      %get3A_108 = tpu.vector_load %arg6[%get3A_106, %get3A_107] {strides = array<i32>} : memref<26x512xf32, #tpu.memory_space<vmem>>, vector<16xf32>,
      %add3A_109 = arith.addf %add3A_102, %get3A_108 : vector<16xf32>
      %mul3A_110 = arith.constant 16 : i32
      %mul3A_111 = arith.muli %scan3A_20, %mul3A_110 : i32
      %get3A_112 = arith.constant 13 : i32
      %get3A_113 = arith.index_cast %get3A_112 : i32 to index
      %get3A_114 = arith.index_cast %mul3A_111 : i32 to index
      %get3A_115 = tpu.vector_load %arg6[%get3A_113, %get3A_114] {strides = array<i32>} : memref<26x512xf32, #tpu.memory_space<vmem>>, vector<16xf32>,
      %add3A_116 = arith.addf %add3A_109, %get3A_115 : vector<16xf32>
      %mul3A_117 = arith.constant 16 : i32
      %mul3A_118 = arith.muli %scan3A_20, %mul3A_117 : i32
      %get3A_119 = arith.constant 14 : i32
      %get3A_120 = arith.index_cast %get3A_119 : i32 to index
      %get3A_121 = arith.index_cast %mul3A_118 : i32 to index
      %get3A_122 = tpu.vector_load %arg6[%get3A_120, %get3A_121] {strides = array<i32>} : memref<26x512xf32, #tpu.memory_space<vmem>>, vector<16xf32>,
      %add3A_123 = arith.addf %add3A_116, %get3A_122 : vector<16xf32>
      %mul3A_124 = arith.constant 16 : i32
      %mul3A_125 = arith.muli %scan3A_20, %mul3A_124 : i32
      %get3A_126 = arith.constant 15 : i32
      %get3A_127 = arith.index_cast %get3A_126 : i32 to index
      %get3A_128 = arith.index_cast %mul3A_125 : i32 to index
      %get3A_129 = tpu.vector_load %arg6[%get3A_127, %get3A_128] {strides = array<i32>} : memref<26x512xf32, #tpu.memory_space<vmem>>, vector<16xf32>,
      %add3A_130 = arith.addf %add3A_123, %get3A_129 : vector<16xf32>
      %mul3A_131 = arith.constant 16 : i32
      %mul3A_132 = arith.muli %scan3A_20, %mul3A_131 : i32
      %get3A_133 = arith.constant 16 : i32
      %get3A_134 = arith.index_cast %get3A_133 : i32 to index
      %get3A_135 = arith.index_cast %mul3A_132 : i32 to index
      %get3A_136 = tpu.vector_load %arg6[%get3A_134, %get3A_135] {strides = array<i32>} : memref<26x512xf32, #tpu.memory_space<vmem>>, vector<16xf32>,
      %add3A_137 = arith.addf %add3A_130, %get3A_136 : vector<16xf32>
      %mul3A_138 = arith.constant 16 : i32
      %mul3A_139 = arith.muli %scan3A_20, %mul3A_138 : i32
      %get3A_140 = arith.constant 17 : i32
      %get3A_141 = arith.index_cast %get3A_140 : i32 to index
      %get3A_142 = arith.index_cast %mul3A_139 : i32 to index
      %get3A_143 = tpu.vector_load %arg6[%get3A_141, %get3A_142] {strides = array<i32>} : memref<26x512xf32, #tpu.memory_space<vmem>>, vector<16xf32>,
      %add3A_144 = arith.addf %add3A_137, %get3A_143 : vector<16xf32>
      %mul3A_145 = arith.constant 16 : i32
      %mul3A_146 = arith.muli %scan3A_20, %mul3A_145 : i32
      %get3A_147 = arith.constant 18 : i32
      %get3A_148 = arith.index_cast %get3A_147 : i32 to index
      %get3A_149 = arith.index_cast %mul3A_146 : i32 to index
      %get3A_150 = tpu.vector_load %arg6[%get3A_148, %get3A_149] {strides = array<i32>} : memref<26x512xf32, #tpu.memory_space<vmem>>, vector<16xf32>,
      %add3A_151 = arith.addf %add3A_144, %get3A_150 : vector<16xf32>
      %mul3A_152 = arith.constant 16 : i32
      %mul3A_153 = arith.muli %scan3A_20, %mul3A_152 : i32
      %get3A_154 = arith.constant 19 : i32
      %get3A_155 = arith.index_cast %get3A_154 : i32 to index
      %get3A_156 = arith.index_cast %mul3A_153 : i32 to index
      %get3A_157 = tpu.vector_load %arg6[%get3A_155, %get3A_156] {strides = array<i32>} : memref<26x512xf32, #tpu.memory_space<vmem>>, vector<16xf32>,
      %add3A_158 = arith.addf %add3A_151, %get3A_157 : vector<16xf32>
      %mul3A_159 = arith.constant 16 : i32
      %mul3A_160 = arith.muli %scan3A_20, %mul3A_159 : i32
      %get3A_161 = arith.constant 20 : i32
      %get3A_162 = arith.index_cast %get3A_161 : i32 to index
      %get3A_163 = arith.index_cast %mul3A_160 : i32 to index
      %get3A_164 = tpu.vector_load %arg6[%get3A_162, %get3A_163] {strides = array<i32>} : memref<26x512xf32, #tpu.memory_space<vmem>>, vector<16xf32>,
      %add3A_165 = arith.addf %add3A_158, %get3A_164 : vector<16xf32>
      %mul3A_166 = arith.constant 16 : i32
      %mul3A_167 = arith.muli %scan3A_20, %mul3A_166 : i32
      %get3A_168 = arith.constant 21 : i32
      %get3A_169 = arith.index_cast %get3A_168 : i32 to index
      %get3A_170 = arith.index_cast %mul3A_167 : i32 to index
      %get3A_171 = tpu.vector_load %arg6[%get3A_169, %get3A_170] {strides = array<i32>} : memref<26x512xf32, #tpu.memory_space<vmem>>, vector<16xf32>,
      %add3A_172 = arith.addf %add3A_165, %get3A_171 : vector<16xf32>
      %mul3A_173 = arith.constant 16 : i32
      %mul3A_174 = arith.muli %scan3A_20, %mul3A_173 : i32
      %get3A_175 = arith.constant 22 : i32
      %get3A_176 = arith.index_cast %get3A_175 : i32 to index
      %get3A_177 = arith.index_cast %mul3A_174 : i32 to index
      %get3A_178 = tpu.vector_load %arg6[%get3A_176, %get3A_177] {strides = array<i32>} : memref<26x512xf32, #tpu.memory_space<vmem>>, vector<16xf32>,
      %add3A_179 = arith.addf %add3A_172, %get3A_178 : vector<16xf32>
      %mul3A_180 = arith.constant 16 : i32
      %mul3A_181 = arith.muli %scan3A_20, %mul3A_180 : i32
      %get3A_182 = arith.constant 23 : i32
      %get3A_183 = arith.index_cast %get3A_182 : i32 to index
      %get3A_184 = arith.index_cast %mul3A_181 : i32 to index
      %get3A_185 = tpu.vector_load %arg6[%get3A_183, %get3A_184] {strides = array<i32>} : memref<26x512xf32, #tpu.memory_space<vmem>>, vector<16xf32>,
      %add3A_186 = arith.addf %add3A_179, %get3A_185 : vector<16xf32>
      %mul3A_187 = arith.constant 16 : i32
      %mul3A_188 = arith.muli %scan3A_20, %mul3A_187 : i32
      %get3A_189 = arith.constant 24 : i32
      %get3A_190 = arith.index_cast %get3A_189 : i32 to index
      %get3A_191 = arith.index_cast %mul3A_188 : i32 to index
      %get3A_192 = tpu.vector_load %arg6[%get3A_190, %get3A_191] {strides = array<i32>} : memref<26x512xf32, #tpu.memory_space<vmem>>, vector<16xf32>,
      %add3A_193 = arith.addf %add3A_186, %get3A_192 : vector<16xf32>
      %mul3A_194 = arith.constant 16 : i32
      %mul3A_195 = arith.muli %scan3A_20, %mul3A_194 : i32
      %get3A_196 = arith.constant 25 : i32
      %get3A_197 = arith.index_cast %get3A_196 : i32 to index
      %get3A_198 = arith.index_cast %mul3A_195 : i32 to index
      %get3A_199 = tpu.vector_load %arg6[%get3A_197, %get3A_198] {strides = array<i32>} : memref<26x512xf32, #tpu.memory_space<vmem>>, vector<16xf32>,
      %add3A_200 = arith.addf %add3A_193, %get3A_199 : vector<16xf32>
      %mul3A_201 = arith.constant 16 : i32
      %mul3A_202 = arith.muli %scan3A_20, %mul3A_201 : i32
      %swap3A = arith.index_cast %mul3A_202 : i32 to index
      %swap3A_203 = tpu.vector_load %arg7[%swap3A] {strides = array<i32>} : memref<512xf32, #tpu.memory_space<vmem>>, vector<16xf32>,
      tpu.vector_store %arg7[%swap3A], %add3A_200 {strides = array<i32>} : memref<512xf32, #tpu.memory_space<vmem>>, vector<16xf32>,
    }
    %scan3A_19 = arith.constant 32 : i32
    "tpu.region"() ({
      %run_scoped3A = tpu.sem_alloc : memref<!tpu.dma_semaphore, #tpu.memory_space<semaphore_mem>>
      %dma_start3A = tpu.memref_slice %arg4[%mul3A_2] : memref<16384xf32, #tpu.memory_space<hbm>> -> memref<512xf32, #tpu.memory_space<hbm>>
      %dma_start3A_20 = tpu.memref_slice %arg4[%mul3A_2] : memref<16384xf32, #tpu.memory_space<hbm>> -> memref<512xf32, #tpu.memory_space<hbm>>
      tpu.enqueue_dma source(%arg7 : memref<512xf32, #tpu.memory_space<vmem>>) target(%dma_start3A_20 : memref<512xf32, #tpu.memory_space<hbm>>) target_semaphore(%run_scoped3A : memref<!tpu.dma_semaphore, #tpu.memory_space<semaphore_mem>>)
      %dma_wait3A = tpu.memref_slice %arg4[%mul3A_2] : memref<16384xf32, #tpu.memory_space<hbm>> -> memref<512xf32, #tpu.memory_space<hbm>>
      %dma_wait3A_21 = tpu.memref_slice %arg4[%mul3A_2] : memref<16384xf32, #tpu.memory_space<hbm>> -> memref<512xf32, #tpu.memory_space<hbm>>
      tpu.wait_dma2 semaphore(%run_scoped3A : memref<!tpu.dma_semaphore, #tpu.memory_space<semaphore_mem>>) src(%arg7 : memref<512xf32, #tpu.memory_space<vmem>>) dst(%dma_wait3A_21 : memref<512xf32, #tpu.memory_space<hbm>>)
      tpu.yield
    }) : () -> ()
    return
  }
}

module attributes {stable_mosaic.version = 14 : i64} {
  func.func @_proj_body(%arg0: i32, %arg1: memref<64x8192xf32, #tpu.memory_space<vmem>>, %arg2: memref<26x64xf32, #tpu.memory_space<vmem>>, %arg3: memref<26x64x128xf32, #tpu.memory_space<vmem>>) attributes {dimension_semantics = [#tpu.dimension_semantics<arbitrary>], iteration_bounds = array<i64: 123>, scalar_prefetch = 0 : i64, scratch_operands = 0 : i64, tpu.core_type = #tpu.core_type<tc>, window_params = [{transform_indices = @transform_0, window_bounds = array<i64: 64, 8192>}, {pipeline_mode = #tpu.pipeline_mode<synchronous>, transform_indices = @transform_1, window_bounds = array<i64: 26, 64>}, {transform_indices = @transform_2, window_bounds = array<i64: 26, 64, 128>}]} {
    %get3A = arith.constant 0 : index
    %get3A_0 = arith.constant 0 : index
    %get3A_1 = vector.load %arg1[%get3A, %get3A_0] : memref<64x8192xf32, #tpu.memory_space<vmem>>, vector<64x8192xf32>
    %get3A_2 = arith.constant 0 : index
    %get3A_3 = arith.constant 0 : index
    %get3A_4 = vector.load %arg2[%get3A_2, %get3A_3] : memref<26x64xf32, #tpu.memory_space<vmem>>, vector<26x64xf32>
    %dot_general3A = arith.constant dense<0.000000e+00> : vector<26x8192xf32>
    %dot_general3A_5 = tpu.matmul %get3A_4, %get3A_1, %dot_general3A {dimension_numbers = #tpu.dot_dimension_numbers<[1], [0], [0], [1], [0, 0, 1, 1], [], []>, transpose_lhs_hint = false} : vector<26x64xf32>, vector<64x8192xf32>, vector<26x8192xf32> -> vector<26x8192xf32>
    %reshape3A = vector.shape_cast %dot_general3A_5 : vector<26x8192xf32> to vector<26x64x128xf32>
    %swap3A = arith.constant 0 : index
    %swap3A_6 = arith.constant 0 : index
    %swap3A_7 = arith.constant 0 : index
    %swap3A_8 = vector.load %arg3[%swap3A, %swap3A_6, %swap3A_7] : memref<26x64x128xf32, #tpu.memory_space<vmem>>, vector<26x64x128xf32>
    tpu.vector_store %arg3[%swap3A, %swap3A_6, %swap3A_7], %reshape3A {strides = array<i32>} : memref<26x64x128xf32, #tpu.memory_space<vmem>>, vector<26x64x128xf32>,
    return
  }
  func.func @transform_0(%arg0: i32) -> (i32, i32) {
    %c0_i32 = arith.constant 0 : i32
    %c0_i32_0 = arith.constant 0 : i32
    return %c0_i32, %arg0 : i32, i32
  }
  func.func @transform_1(%arg0: i32) -> (i32, i32) {
    %c0_i32 = arith.constant 0 : i32
    %c0_i32_0 = arith.constant 0 : i32
    %c0_i32_1 = arith.constant 0 : i32
    return %c0_i32, %c0_i32_0 : i32, i32
  }
  func.func @transform_2(%arg0: i32) -> (i32, i32, i32) {
    %c0_i32 = arith.constant 0 : i32
    %c0_i32_0 = arith.constant 0 : i32
    %c0_i32_1 = arith.constant 0 : i32
    return %c0_i32, %arg0, %c0_i32_0 : i32, i32, i32
  }
}

module attributes {stable_mosaic.version = 14 : i64} {
  func.func @_mlp_body(%arg0: i32, %arg1: memref<1024x13xf32, #tpu.memory_space<vmem>>, %arg2: memref<13x256xf32, #tpu.memory_space<vmem>>, %arg3: memref<256x1xf32, #tpu.memory_space<vmem>>, %arg4: memref<256x256xf32, #tpu.memory_space<vmem>>, %arg5: memref<256x1xf32, #tpu.memory_space<vmem>>, %arg6: memref<256x256xf32, #tpu.memory_space<vmem>>, %arg7: memref<1x256xf32, #tpu.memory_space<vmem>>, %arg8: memref<256x1xf32, #tpu.memory_space<vmem>>, %arg9: memref<1x1xf32, #tpu.memory_space<vmem>>, %arg10: memref<1x1x1024xf32, #tpu.memory_space<vmem>>) attributes {dimension_semantics = [#tpu.dimension_semantics<arbitrary>], iteration_bounds = array<i64: 16>, scalar_prefetch = 0 : i64, scratch_operands = 0 : i64, tpu.core_type = #tpu.core_type<tc>, window_params = [{transform_indices = @transform_0, window_bounds = array<i64: 1024, 13>}, {pipeline_mode = #tpu.pipeline_mode<synchronous>, transform_indices = @transform_1, window_bounds = array<i64: 13, 256>}, {pipeline_mode = #tpu.pipeline_mode<synchronous>, transform_indices = @transform_2, window_bounds = array<i64: 256, 1>}, {pipeline_mode = #tpu.pipeline_mode<synchronous>, transform_indices = @transform_3, window_bounds = array<i64: 256, 256>}, {pipeline_mode = #tpu.pipeline_mode<synchronous>, transform_indices = @transform_4, window_bounds = array<i64: 256, 1>}, {pipeline_mode = #tpu.pipeline_mode<synchronous>, transform_indices = @transform_5, window_bounds = array<i64: 256, 256>}, {pipeline_mode = #tpu.pipeline_mode<synchronous>, transform_indices = @transform_6, window_bounds = array<i64: 1, 256>}, {pipeline_mode = #tpu.pipeline_mode<synchronous>, transform_indices = @transform_7, window_bounds = array<i64: 256, 1>}, {pipeline_mode = #tpu.pipeline_mode<synchronous>, transform_indices = @transform_8, window_bounds = array<i64: 1, 1>}, {transform_indices = @transform_9, window_bounds = array<i64: 1, 1, 1024>}]} {
    %get3A = arith.constant 0 : index
    %get3A_0 = arith.constant 0 : index
    %get3A_1 = vector.load %arg1[%get3A, %get3A_0] : memref<1024x13xf32, #tpu.memory_space<vmem>>, vector<1024x13xf32>
    %get3A_2 = arith.constant 0 : index
    %get3A_3 = arith.constant 0 : index
    %get3A_4 = vector.load %arg2[%get3A_2, %get3A_3] : memref<13x256xf32, #tpu.memory_space<vmem>>, vector<13x256xf32>
    %dot_general3A = arith.constant dense<0.000000e+00> : vector<256x1024xf32>
    %dot_general3A_5 = tpu.matmul %get3A_4, %get3A_1, %dot_general3A {dimension_numbers = #tpu.dot_dimension_numbers<[0], [1], [1], [0], [0, 1, 1, 0], [], []>, transpose_lhs_hint = false} : vector<13x256xf32>, vector<1024x13xf32>, vector<256x1024xf32> -> vector<256x1024xf32>
    %get3A_6 = arith.constant 0 : index
    %get3A_7 = arith.constant 0 : index
    %get3A_8 = vector.load %arg3[%get3A_6, %get3A_7] : memref<256x1xf32, #tpu.memory_space<vmem>>, vector<256x1xf32>
    %add3A = vector.broadcast %get3A_8 : vector<256x1xf32> to vector<256x1024xf32>
    %add3A_9 = arith.addf %dot_general3A_5, %add3A : vector<256x1024xf32>
    %max3A = arith.constant 0.000000e+00 : f32
    %max3A_10 = vector.broadcast %max3A : f32 to vector<256x1024xf32>
    %max3A_11 = arith.maximumf %add3A_9, %max3A_10 : vector<256x1024xf32>
    %get3A_12 = arith.constant 0 : index
    %get3A_13 = arith.constant 0 : index
    %get3A_14 = vector.load %arg4[%get3A_12, %get3A_13] : memref<256x256xf32, #tpu.memory_space<vmem>>, vector<256x256xf32>
    %dot_general3A_15 = arith.constant dense<0.000000e+00> : vector<256x1024xf32>
    %dot_general3A_16 = tpu.matmul %get3A_14, %max3A_11, %dot_general3A_15 {dimension_numbers = #tpu.dot_dimension_numbers<[0], [0], [1], [1], [0, 1, 1, 1], [], []>, transpose_lhs_hint = false} : vector<256x256xf32>, vector<256x1024xf32>, vector<256x1024xf32> -> vector<256x1024xf32>
    %get3A_17 = arith.constant 0 : index
    %get3A_18 = arith.constant 0 : index
    %get3A_19 = vector.load %arg5[%get3A_17, %get3A_18] : memref<256x1xf32, #tpu.memory_space<vmem>>, vector<256x1xf32>
    %add3A_20 = vector.broadcast %get3A_19 : vector<256x1xf32> to vector<256x1024xf32>
    %add3A_21 = arith.addf %dot_general3A_16, %add3A_20 : vector<256x1024xf32>
    %max3A_22 = arith.constant 0.000000e+00 : f32
    %max3A_23 = vector.broadcast %max3A_22 : f32 to vector<256x1024xf32>
    %max3A_24 = arith.maximumf %add3A_21, %max3A_23 : vector<256x1024xf32>
    %get3A_25 = arith.constant 0 : index
    %get3A_26 = arith.constant 0 : index
    %get3A_27 = vector.load %arg6[%get3A_25, %get3A_26] : memref<256x256xf32, #tpu.memory_space<vmem>>, vector<256x256xf32>
    %get3A_28 = arith.constant 0 : index
    %get3A_29 = arith.constant 0 : index
    %get3A_30 = vector.load %arg8[%get3A_28, %get3A_29] : memref<256x1xf32, #tpu.memory_space<vmem>>, vector<256x1xf32>
    %dot_general3A_31 = arith.constant dense<0.000000e+00> : vector<256x1xf32>
    %dot_general3A_32 = tpu.matmul %get3A_27, %get3A_30, %dot_general3A_31 {dimension_numbers = #tpu.dot_dimension_numbers<[1], [0], [0], [1], [0, 0, 1, 1], [], []>, transpose_lhs_hint = false} : vector<256x256xf32>, vector<256x1xf32>, vector<256x1xf32> -> vector<256x1xf32>
    %get3A_33 = arith.constant 0 : index
    %get3A_34 = arith.constant 0 : index
    %get3A_35 = vector.load %arg7[%get3A_33, %get3A_34] : memref<1x256xf32, #tpu.memory_space<vmem>>, vector<1x256xf32>
    %get3A_36 = arith.constant 0 : index
    %get3A_37 = arith.constant 0 : index
    %get3A_38 = vector.load %arg8[%get3A_36, %get3A_37] : memref<256x1xf32, #tpu.memory_space<vmem>>, vector<256x1xf32>
    %dot_general3A_39 = arith.constant dense<0.000000e+00> : vector<1x1xf32>
    %dot_general3A_40 = tpu.matmul %get3A_35, %get3A_38, %dot_general3A_39 {dimension_numbers = #tpu.dot_dimension_numbers<[1], [0], [0], [1], [0, 0, 1, 1], [], []>, transpose_lhs_hint = false} : vector<1x256xf32>, vector<256x1xf32>, vector<1x1xf32> -> vector<1x1xf32>
    %get3A_41 = arith.constant 0 : index
    %get3A_42 = arith.constant 0 : index
    %get3A_43 = vector.load %arg9[%get3A_41, %get3A_42] : memref<1x1xf32, #tpu.memory_space<vmem>>, vector<1x1xf32>
    %add3A_44 = arith.addf %dot_general3A_40, %get3A_43 : vector<1x1xf32>
    %dot_general3A_45 = arith.constant dense<0.000000e+00> : vector<1x1024xf32>
    %dot_general3A_46 = tpu.matmul %dot_general3A_32, %max3A_24, %dot_general3A_45 {dimension_numbers = #tpu.dot_dimension_numbers<[0], [0], [1], [1], [0, 1, 1, 1], [], []>, transpose_lhs_hint = false} : vector<256x1xf32>, vector<256x1024xf32>, vector<1x1024xf32> -> vector<1x1024xf32>
    %add3A_47 = vector.broadcast %add3A_44 : vector<1x1xf32> to vector<1x1024xf32>
    %add3A_48 = arith.addf %dot_general3A_46, %add3A_47 : vector<1x1024xf32>
    %swap3A = arith.constant 0 : index
    %swap3A_49 = arith.constant 0 : index
    %swap3A_50 = arith.constant 0 : index
    %swap3A_51 = vector.load %arg10[%swap3A, %swap3A_49, %swap3A_50] : memref<1x1x1024xf32, #tpu.memory_space<vmem>>, vector<1x1x1024xf32>
    %swap3A_52 = vector.shape_cast %swap3A_51 : vector<1x1x1024xf32> to vector<1x1024xf32>
    %swap3A_53 = vector.shape_cast %add3A_48 : vector<1x1024xf32> to vector<1x1x1024xf32>
    tpu.vector_store %arg10[%swap3A, %swap3A_49, %swap3A_50], %swap3A_53 {strides = array<i32>} : memref<1x1x1024xf32, #tpu.memory_space<vmem>>, vector<1x1x1024xf32>,
    return
  }
  func.func @transform_0(%arg0: i32) -> (i32, i32) {
    %c0_i32 = arith.constant 0 : i32
    %c0_i32_0 = arith.constant 0 : i32
    return %arg0, %c0_i32 : i32, i32
  }
  func.func @transform_1(%arg0: i32) -> (i32, i32) {
    %c0_i32 = arith.constant 0 : i32
    %c0_i32_0 = arith.constant 0 : i32
    %c0_i32_1 = arith.constant 0 : i32
    return %c0_i32, %c0_i32_0 : i32, i32
  }
  func.func @transform_2(%arg0: i32) -> (i32, i32) {
    %c0_i32 = arith.constant 0 : i32
    %c0_i32_0 = arith.constant 0 : i32
    %c0_i32_1 = arith.constant 0 : i32
    return %c0_i32, %c0_i32_0 : i32, i32
  }
  func.func @transform_3(%arg0: i32) -> (i32, i32) {
    %c0_i32 = arith.constant 0 : i32
    %c0_i32_0 = arith.constant 0 : i32
    %c0_i32_1 = arith.constant 0 : i32
    return %c0_i32, %c0_i32_0 : i32, i32
  }
  func.func @transform_4(%arg0: i32) -> (i32, i32) {
    %c0_i32 = arith.constant 0 : i32
    %c0_i32_0 = arith.constant 0 : i32
    %c0_i32_1 = arith.constant 0 : i32
    return %c0_i32, %c0_i32_0 : i32, i32
  }
  func.func @transform_5(%arg0: i32) -> (i32, i32) {
    %c0_i32 = arith.constant 0 : i32
    %c0_i32_0 = arith.constant 0 : i32
    %c0_i32_1 = arith.constant 0 : i32
    return %c0_i32, %c0_i32_0 : i32, i32
  }
  func.func @transform_6(%arg0: i32) -> (i32, i32) {
    %c0_i32 = arith.constant 0 : i32
    %c0_i32_0 = arith.constant 0 : i32
    %c0_i32_1 = arith.constant 0 : i32
    return %c0_i32, %c0_i32_0 : i32, i32
  }
  func.func @transform_7(%arg0: i32) -> (i32, i32) {
    %c0_i32 = arith.constant 0 : i32
    %c0_i32_0 = arith.constant 0 : i32
    %c0_i32_1 = arith.constant 0 : i32
    return %c0_i32, %c0_i32_0 : i32, i32
  }
  func.func @transform_8(%arg0: i32) -> (i32, i32) {
    %c0_i32 = arith.constant 0 : i32
    %c0_i32_0 = arith.constant 0 : i32
    %c0_i32_1 = arith.constant 0 : i32
    return %c0_i32, %c0_i32_0 : i32, i32
  }
  func.func @transform_9(%arg0: i32) -> (i32, i32, i32) {
    %c0_i32 = arith.constant 0 : i32
    %c0_i32_0 = arith.constant 0 : i32
    %c0_i32_1 = arith.constant 0 : i32
    return %arg0, %c0_i32, %c0_i32_0 : i32, i32, i32
  }
}

</mosaic_0001>

<sc_bundles>
// kernel: kernel.5.cloned.1.call-start
scs
__scs_entry_jumppad:
0x0: {  	(pc) =	sbr.rel $0x88, $3  }
0x1: {  	(tag) =	ssettag $0x0;
	lr =	simm.s32 $0x1  }
0x2: {  	[smem:$0x3F96] =	sst lr;
	_ =	strace $0xD0000000  }
0x3: {  	_ = 	snop  }
0x4: {  	_ = 	snop  }
0x5: {  	_ = 	snop  }
0x6: {  	_ = 	snop  }
0x7: {  	_ = 	snop  }
__scs_overlays_trampoline_lowered:
0x8: {  	[smem:$0x3FA5] =	sst s0  }
0x9: {  	[smem:$0x3FA6] =	sst s1  }
0xa: {  	[smem:$0x3FA7] =	sst s2  }
0xb: {  	[smem:$0x3FA8] =	sst s3  }
0xc: {  	[smem:$0x3FA9] =	sst s4  }
0xd: {  	[smem:$0x3FAA] =	sst s5  }
0xe: {  	[smem:$0x3FAB] =	sst s6  }
0xf: {  	[smem:$0x3FAC] =	sst s7  }
0x10: {  	[smem:$0x3FAD] =	sst s8  }
0x11: {  	[smem:$0x3FAE] =	sst s9;
	s0 =	simm.s32 @!p0 $0x0  }
0x12: {  	s1 =	sld [smem:$0x3F94];
	s0 =	simm.s32 @p0 $0x1  }
0x13: {  	[smem:$0x3FAF] =	sst s0;
	s0 =	simm.s32 @!p1 $0x0  }
0x14: {  	s2 =	sld [smem:$0x3F93];
	s0 =	simm.s32 @p1 $0x1  }
0x15: {  	[smem:$0x3FB0] =	sst s0;
	s0 =	simm.s32 @!p2 $0x0  }
0x16: {  	s3 =	sld [smem:$0x3FDB];
	s0 =	simm.s32 @p2 $0x1  }
0x17: {  	s4 =	simm.s32 $0x1BF5;
	[smem:$0x3FB2] =	sst s0  }
0x18: {  	s0 =	sld [smem:$0x3F95];
	_ =	swait.ge [sflag:s4], $0x0  }
0x19: {  	s7 =	sld [smem:$0x3F96]  }
0x1a: {  	s8 =	sadd.s32 $0xFFFFE003, lr  }
0x1b: {  	s9 =	sadd.s32 $0xFFFFFEF7, lr;
	s5 =	simm.s32 $0xFFFFFFFF;
	p2 =	slt.u32 s8, $0xFFFFF086  }
0x1c: {  	p1 =	slt.u32 s9, $0xF7A;
	s5 =	simm.s32 @!p2 $0x0  }
0x1d: {  	s5 =	simm.s32 @p1 $0x1;
	p0 =	seq.s32 s7, s2  }
0x1e: {  	s7 =	smul.u32 @!p0 $0xF7A, s2;
	p2 =	seq.s32 @!p0 s5, $0x0  }
0x1f: {  	s9 =	smul.u32 $0xF7A, s1;
	s8 =	simm.s32 @!p0 $0x1BF5;
	p2 =	por !p2, p0  }
0x20: {  	[sflag:s8] =	ssyncset.s32 @!p0 $0xFFFFF086;
	s6 =	sadd.s32 @!p0 s3, s7;
	s7 =	simm.s32 @!p0 $0x108  }
0x21: {  	s3 =	sadd.s32 s3, s9;
	s6 =	sadd.s32 @!p0 $0x88, s6;
	s7 =	simm.s32 @p2 $0x1082  }
0x22: {  	[simem:s7], [sflag:s8] =	dma.local @!p0 [hbm:s6], $0xF7A  }
0x23: {  	s9 =	sor.u32 $0xD0000000, s2;
	s6 =	simm.s32 $0x108;
	_ =	swait.ge @!p0 [sflag:s8], $0x0  }
0x24: {  	s3 =	sadd.s32 $0x88, s3;
	s6 =	simm.s32 @!p1 $0x1082;
	[sflag:s4] =	ssyncset.s32 $0xFFFFF086  }
0x25: {  	[simem:s6], [sflag:s4] =	dma.local [hbm:s3], $0xF7A  }
0x26: {  	[smem:$0x3F96] =	sst s1;
	(tag) =	ssettag s2;
	_ =	strace s9  }
0x27: {  	s1 =	sld [smem:$0x3FA6]  }
0x28: {  	s2 =	sld [smem:$0x3FA7]  }
0x29: {  	s4 =	sld [smem:$0x3FA9]  }
0x2a: {  	p0 =	seq.s32 s5, $0x0;
	s5 =	sld [smem:$0x3FAA]  }
0x2b: {  	s6 =	sld [smem:$0x3FAB]  }
0x2c: {  	s7 =	sld [smem:$0x3FAC]  }
0x2d: {  	s3 =	simm.s32 $0x108;
	s8 =	sld [smem:$0x3FAD]  }
0x2e: {  	s3 =	simm.s32 @!p0 $0x1082;
	s9 =	sld [smem:$0x3FAE]  }
0x2f: {  	lr =	sadd.s32 s0, s3;
	s0 =	sld [smem:$0x3FA5]  }
0x30: {  	s3 =	sld [smem:$0x3FA8]  }
0x31: {  	[smem:$0x3FB1] =	sst s10  }
0x32: {  	s10 =	sld [smem:$0x3FAF];
	_ =	sdelay $0x3  }
0x33: {  	p0 =	seq.s32 s10, $0x1;
	s10 =	sld [smem:$0x3FB1];
	_ =	sdelay $0x3  }
0x34: {  	[smem:$0x3FB1] =	sst s10  }
0x35: {  	s10 =	sld [smem:$0x3FB0];
	_ =	sdelay $0x3  }
0x36: {  	p1 =	seq.s32 s10, $0x1;
	s10 =	sld [smem:$0x3FB1];
	_ =	sdelay $0x3  }
0x37: {  	[smem:$0x3FB1] =	sst s10  }
0x38: {  	s10 =	sld [smem:$0x3FB2]  }
0x39: {  	_ = 	snop;
	(pc) =	sbr.ind lr, $3  }
0x3a: {  	_ = 	snop  }
0x3b: {  	_ = 	snop  }
0x3c: {  	p2 =	seq.s32 s10, $0x1;
	s10 =	sld [smem:$0x3FB1]  }
0x3d: {  	_ =	shalt  }
0x3e: {  	_ =	shalt  }
0x3f: {  	_ =	shalt  }
0x40: {  	_ =	shalt  }
0x41: {  	_ =	shalt  }
0x42: {  	_ =	shalt  }
0x43: {  	_ =	shalt  }
0x44: {  	_ =	shalt  }
0x45: {  	_ =	shalt  }
0x46: {  	_ =	shalt  }
0x47: {  	_ =	shalt  }
0x48: {  	_ =	shalt  }
0x49: {  	_ =	shalt  }
0x4a: {  	_ =	shalt  }
0x4b: {  	_ =	shalt  }
0x4c: {  	_ =	shalt  }
0x4d: {  	_ =	shalt  }
0x4e: {  	_ =	shalt  }
0x4f: {  	_ =	shalt  }
0x50: {  	_ =	shalt  }
0x51: {  	_ =	shalt  }
0x52: {  	_ =	shalt  }
0x53: {  	_ =	shalt  }
0x54: {  	_ =	shalt  }
0x55: {  	_ =	shalt  }
0x56: {  	_ =	shalt  }
0x57: {  	_ =	shalt  }
0x58: {  	_ =	shalt  }
0x59: {  	_ =	shalt  }
0x5a: {  	_ =	shalt  }
0x5b: {  	_ =	shalt  }
0x5c: {  	_ =	shalt  }
0x5d: {  	_ =	shalt  }
0x5e: {  	_ =	shalt  }
0x5f: {  	_ =	shalt  }
0x60: {  	_ =	shalt  }
0x61: {  	_ =	shalt  }
0x62: {  	_ =	shalt  }
0x63: {  	_ =	shalt  }
0x64: {  	_ =	shalt  }
0x65: {  	_ =	shalt  }
0x66: {  	_ =	shalt  }
0x67: {  	_ =	shalt  }
0x68: {  	_ =	shalt  }
0x69: {  	_ =	shalt  }
0x6a: {  	_ =	shalt  }
0x6b: {  	_ =	shalt  }
0x6c: {  	_ =	shalt  }
0x6d: {  	_ =	shalt  }
0x6e: {  	_ =	shalt  }
0x6f: {  	_ =	shalt  }
0x70: {  	_ =	shalt  }
0x71: {  	_ =	shalt  }
0x72: {  	_ =	shalt  }
0x73: {  	_ =	shalt  }
0x74: {  	_ =	shalt  }
0x75: {  	_ =	shalt  }
0x76: {  	_ =	shalt  }
0x77: {  	_ =	shalt  }
0x78: {  	_ =	shalt  }
0x79: {  	_ =	shalt  }
0x7a: {  	_ =	shalt  }
0x7b: {  	_ =	shalt  }
0x7c: {  	_ =	shalt  }
0x7d: {  	_ =	shalt  }
0x7e: {  	_ =	shalt  }
0x7f: {  	_ =	shalt  }
0x80: {  	_ =	shalt  }
0x81: {  	_ =	shalt  }
0x82: {  	_ =	shalt  }
0x83: {  	_ =	shalt  }
0x84: {  	_ =	shalt  }
0x85: {  	_ =	shalt  }
0x86: {  	_ =	shalt  }
0x87: {  	_ =	shalt  }
.Lfunc_end0:
.L_simem_size_0:
called_computation_lowered:
.L_overlay_start_0:
0x88: {  	s2 =	sld [smem:$0x3FD9]  }
0x89: {  	s3 =	sld [smem:$0x3FFE];
	_ =	sdelay $0x1  }
0x8a: {  	s1 =	srdreg.scid  }
0x8b: {  	s0 =	sand.u32 $0x1, s1  }
0x8c: {  	s17 =	sshll.u32 s0, $0xA;
	s2 =	sadd.s32 s3, s2  }
0x8d: {  	s2 =	sadd.s32 s2, s17  }
0x8e: {  	[smem:$0x3FBD] =	sst s2  }
0x8f: {  	_ = 	snop  }
0x90: {  	s2 =	sld [smem:$0x3FD0];
	(tm) =	ssettm $0x1  }
0x91: {  	s18 =	sld [smem:$0x3FFB];
	_ =	sdelay $0x3  }
0x92: {  	_ =	strace s18  }
0x93: {  	s3 =	sld [smem:$0x3FFC];
	_ =	sdelay $0x3  }
0x94: {  	_ =	strace s3  }
0x95: {  	s3 =	sld [smem:$0x3FFD];
	_ =	sdelay $0x3  }
0x96: {  	_ =	strace s3  }
0x97: {  	_ =	strace $0x8FFFFFFF  }
0x98: {  	s19 =	sld [smem:$0x3FDB];
	_ =	sdelay $0x1  }
0x99: {  	s4 =	simm.s32 $_scs_section_size  }
0x9a: {  	s5 =	simm.s32 $_size__tile_overlayer_lowered;
	s6 =	simm.s32 $_tile_overlayer_lowered  }
0x9b: {  	s22 =	simm.s32 $0x1BFF;
	s21 =	sshll.u32 s6, $0x1;
	s3 =	sadd.s32 s4, s19  }
0x9c: {  	s7 =	simm.s32 $0x0;
	s20 =	sshll.u32 s5, $0x1;
	s5 =	sadd.s32 s21, s3  }
0x9d: {  	[timem:s7], [sflag:s22] =	dma.local [hbm:s5], s20  }
0x9e: {  	_ =	swait.ge [sflag:s22], s20  }
0x9f: {  	s4 =	ssub.s32 $0x0, s20;
	[sflag:s22] =	ssyncset.done $0x0  }
0xa0: {  	[sflag:s22] =	ssyncadd.s32 s4;
	_ =	sdelay $0x1  }
0xa1: {  	s23 =	simm.s32 $0x1B8B  }
0xa2: {  	_ =	swait.ge [sflag:s23], $0x1  }
0xa3: {  	[sflag:s23] =	ssyncset.done $0x0  }
0xa4: {  	s25 =	simm.s32 $0x1B8E;
	s24 =	sld [smem:$0x3FFE];
	[sflag:s23] =	ssyncadd.s32 $0xFFFFFFFF  }
0xa5: {  	s26 =	simm.s32 $execute0_lowered;
	[smem:$0x3FD2] =	sst s25  }
0xa6: {  	s5 =	sshll.u32 s26, $0x1;
	_ =	strace $0x80000046;
	[dreg:$0x1] =	wrdreg $0xFFFFFFFF  }
0xa7: {  	s28 =	simm.s32 $_size_execute0_lowered;
	s3 =	sadd.s32 s3, s5;
	[dreg:$0x0] =	wrdreg $0x0  }
0xa8: {  	s5 =	sshll.u32 s28, $0x1;
	[dreg:$0x2] =	wrdreg s3  }
0xa9: {  	[dreg:$0x3] =	wrdreg s5  }
0xaa: {  	[dreg:$0x4] =	wrdreg $0xC0  }
0xab: {  	_ =	task [dreg:s7], $0x5FFFF  }
0xac: {  	[dreg:$0x1] =	wrdreg $0xFFFFFFFF  }
0xad: {  	[dreg:$0x0] =	wrdreg $0x60  }
0xae: {  	[dreg:$0x2] =	wrdreg s24  }
0xaf: {  	[dreg:$0x3] =	wrdreg s2  }
0xb0: {  	[dreg:$0x4] =	wrdreg $0x9  }
0xb1: {  	_ =	task.clear_ibuf [dreg:s7], $0x5FFFF;
	_ =	strace $0x90000046  }
0xb2: {  	s29 =	simm.s32 $0x9;
	_ =	strace $0x80000048  }
0xb3: {  	_ =	swait.ge [sflag:s29], $0x1  }
0xb4: {  	[sflag:s29] =	ssyncadd.s32 $0xFFFFFFFF  }
0xb5: {  	_ =	strace $0x90000048  }
0xb6: {  	_ =	sfence  }
0xb7: {  	s30 =	sld [smem:$0x0];
	_ =	sdelay $0x2  }
0xb8: {  	s31 =	sshll.u32 s1, $0xD;
	s1 =	sshrl.u32 s1, $0x2  }
0xb9: {  	s3 =	sand.u32 $0x4000, s31;
	s1 =	sadd.s32 s1, s30  }
0xba: {  	s0 =	sor.u32 s3, s0;
	s1 =	sshll.u32 s1, $0x11  }
0xbb: {  	s0 =	sor.u32 s1, s0  }
0xbc: {  	s0 =	sadd.s32 $0x8F2B, s0  }
0xbd: {  	[sflag:s0] =	ssyncadd.remote.s32 $0x1  }
0xbe: {  	_ =	sfence.sel $0xFFFF  }
0xbf: {  	[dreg:$0x0] =	wrdreg $0xFFFFFFFF;
	(pc) =	sbr.abs _section_cstart, $3  }
0xc0: {  	[dreg:$0x1] =	wrdreg $0xFFFFFFFF  }
0xc1: {  	_ =	task.clear_ibuf [dreg:s7], $0x2FFFF;
	_ =	strace $0x9FFFFFFF  }
0xc2: {  	(tm) =	ssettm $0x7FFFFFFF  }
0xc3: {  	_ =	shalt  }
tec
execute0_lowered:
.L_overlay_start_1:
0x0: {  	(tag) =	ssettag $0x1  }
0x1: {  	s3 =	rddreg [dreg:$0x0]  }
0x2: {  	s5 =	rddreg [dreg:$0x1];
	s2 =	srdreg.scid  }
0x3: {  	s0 =	rddreg [dreg:$0x2];
	s1 =	stileid.u32;
	s9 =	simm.s32 $0x2  }
0x4: {  	s10 =	simm.s32 $0x80;
	s11 =	simm.s32 $0x1;
	s12 =	simm.s32 $0x6800  }
0x5: {  	s13 =	simm.s32 $0x0;
	s4 =	sand.u32 $0x1, s2;
	s2 =	simm.s32 $0x0  }
0x6: {  	s6 =	sshll.u32 s1, $0x7;
	s7 =	sshll.u32 s4, $0x6;
	[smem:$0x7FF] =	sst s2  }
0x7: {  	s4 =	ssub.s32 $0x2, s4;
	s6 =	sor.u32 s7, s6;
	_ =	strace $0x80000047  }
0x8: {  	s8 =	sshrl.u32 s4, $0x1;
	s7 =	sadd.s32 s6, s3;
	s3 =	sadd.s32 $0xE200, s3  }
0x9: {  	s8 =	ssub.s32 s4, s8;
	s5 =	sadd.s32 s5, s6;
	s4 =	sadd.s32 $0x1200, s7  }
0xa: {  	s6 =	smax.u32 s8, $0x1;
	s7 =	simm.s32 $0x200;
	s8 =	simm.s32 $0x4000  }
.LBB2_1:
0xb: {  	[tilespmem:s2], [sflag:$0x2] =	stream.strided.gather [hbm4b:s4+s7], $0x3400, s8, s7, $0x38;
	[tilespmem:$0x6A00] =	vst v63  }
0xc: {  	_ =	swait.ge [sflag:s9], $0x3400  }
0xd: {  	[sflag:s9] =	ssyncset.done $0x0  }
0xe: {  	s14 =	simm.s32 $0x0;
	[sflag:s9] =	ssyncadd.s32 $0xFFFFCC00  }
.LBB2_2:
0xf: {  	p0 =	sne.s32 s14, $0xCE00  }
.Ltmp0:
0x10: {  	_ = 	snop;
	(pc) =	sbr.rel @p0 .LBB2_2-.Ltmp0, $4  }
0x11: {  	_ = 	snop  }
0x12: {  	s15 =	sshra.s32 s14, $0x2  }
0x13: {  	s14 =	sadd.s32 $0x200, s14;
	s16 =	sadd.s32 $0x3400, s15  }
0x14: {  	[tilespmem:s16], [sflag:$0x1] =	stream.indirect.gather [hbm4b:s3+s10], $0x1, s15, s10, $0xb8;
	[tilespmem:$0x6A00] =	vst v63  }
0x15: {  	s14 =	simm.s32 $0x68  }
.LBB2_4:
0x16: {  	p0 =	sne.s32 s14, $0x1  }
.Ltmp1:
0x17: {  	_ = 	snop;
	(pc) =	sbr.rel @p0 .LBB2_4-.Ltmp1, $4  }
0x18: {  	_ = 	snop  }
0x19: {  	_ =	swait.ge [sflag:s11], $0x80  }
0x1a: {  	[sflag:s11] =	ssyncset.done $0x0  }
0x1b: {  	s14 =	sadd.s32 $0xFFFFFFFF, s14;
	[sflag:s11] =	ssyncadd.s32 $0xFFFFFF80  }
0x1c: {  	s15 =	simm.s32 $0x0  }
0x1d: {  	v0 =	vld [tilespmem:s15+$0x3400]  }
0x1e: {  	v1 =	vld [tilespmem:s15+$0x3600];
	_ =	sdelay $0x1  }
0x1f: {  	v2 =	vld [tilespmem:s15+$0x3800];
	_ =	sdelay $0x1  }
0x20: {  	v3 =	vld [tilespmem:s15+$0x3A00]  }
0x21: {  	v0 =	vadd.f32 v1, v0  }
0x22: {  	v1 =	vld [tilespmem:s15+$0x3C00]  }
0x23: {  	v0 =	vadd.f32 v2, v0  }
0x24: {  	v2 =	vld [tilespmem:s15+$0x3E00]  }
0x25: {  	v0 =	vadd.f32 v3, v0  }
0x26: {  	v3 =	vld [tilespmem:s15+$0x4000]  }
0x27: {  	v0 =	vadd.f32 v1, v0  }
0x28: {  	v1 =	vld [tilespmem:s15+$0x4200]  }
0x29: {  	v0 =	vadd.f32 v2, v0  }
0x2a: {  	v2 =	vld [tilespmem:s15+$0x4400]  }
0x2b: {  	v0 =	vadd.f32 v3, v0  }
0x2c: {  	v3 =	vld [tilespmem:s15+$0x4600]  }
0x2d: {  	v0 =	vadd.f32 v1, v0  }
0x2e: {  	v1 =	vld [tilespmem:s15+$0x4800]  }
0x2f: {  	v0 =	vadd.f32 v2, v0  }
0x30: {  	v2 =	vld [tilespmem:s15+$0x4A00]  }
0x31: {  	v0 =	vadd.f32 v3, v0  }
0x32: {  	v3 =	vld [tilespmem:s15+$0x4C00]  }
0x33: {  	s14 =	simm.s32 $0x10;
	v4 =	vld [tilespmem:s15+$0x4E00];
	v0 =	vadd.f32 v1, v0  }
0x34: {  	v5 =	vld [tilespmem:s14+$0x3400]  }
0x35: {  	v1 =	vld [tilespmem:s15+$0x5000];
	v0 =	vadd.f32 v2, v0  }
0x36: {  	v2 =	vld [tilespmem:s14+$0x3600]  }
0x37: {  	v6 =	vld [tilespmem:s14+$0x3800];
	v0 =	vadd.f32 v3, v0  }
0x38: {  	v3 =	vld [tilespmem:s15+$0x5200]  }
0x39: {  	v7 =	vld [tilespmem:s14+$0x3A00];
	v0 =	vadd.f32 v4, v0  }
0x3a: {  	v4 =	vld [tilespmem:s15+$0x5400]  }
0x3b: {  	v2 =	vadd.f32 v2, v5;
	v5 =	vld [tilespmem:s14+$0x3C00];
	v0 =	vadd.f32 v1, v0  }
0x3c: {  	v1 =	vld [tilespmem:s15+$0x5600]  }
0x3d: {  	v2 =	vadd.f32 v6, v2;
	v6 =	vld [tilespmem:s14+$0x3E00];
	v0 =	vadd.f32 v3, v0  }
0x3e: {  	v3 =	vld [tilespmem:s15+$0x5800]  }
0x3f: {  	v2 =	vadd.f32 v7, v2;
	v7 =	vld [tilespmem:s14+$0x4000];
	v0 =	vadd.f32 v4, v0  }
0x40: {  	v4 =	vld [tilespmem:s15+$0x5A00]  }
0x41: {  	v2 =	vadd.f32 v5, v2;
	v5 =	vld [tilespmem:s14+$0x4200];
	v0 =	vadd.f32 v1, v0  }
0x42: {  	v1 =	vld [tilespmem:s15+$0x5C00]  }
0x43: {  	v2 =	vadd.f32 v6, v2;
	v6 =	vld [tilespmem:s14+$0x4400];
	v0 =	vadd.f32 v3, v0  }
0x44: {  	v3 =	vld [tilespmem:s15+$0x5E00]  }
0x45: {  	v2 =	vadd.f32 v7, v2;
	v7 =	vld [tilespmem:s14+$0x4600];
	v0 =	vadd.f32 v4, v0  }
0x46: {  	v4 =	vld [tilespmem:s15+$0x6000]  }
0x47: {  	v2 =	vadd.f32 v5, v2;
	v5 =	vld [tilespmem:s14+$0x4800];
	v0 =	vadd.f32 v1, v0  }
0x48: {  	v1 =	vld [tilespmem:s15+$0x6200]  }
0x49: {  	v8 =	vld [tilespmem:s14+$0x4A00];
	v2 =	vadd.f32 v6, v2;
	v0 =	vadd.f32 v3, v0  }
0x4a: {  	v6 =	vld [tilespmem:s15+$0x6400]  }
0x4b: {  	v3 =	vld [tilespmem:s14+$0x4C00];
	v7 =	vadd.f32 v7, v2;
	v4 =	vadd.f32 v4, v0  }
0x4c: {  	v2 =	vld [tilespmem:s15+$0x6600]  }
0x4d: {  	v0 =	vld [tilespmem:s14+$0x5000];
	v5 =	vadd.f32 v5, v7;
	v7 =	vadd.f32 v1, v4  }
0x4e: {  	s16 =	simm.s32 $0x20;
	v4 =	vld [tilespmem:s14+$0x4E00]  }
0x4f: {  	s17 =	simm.s32 $0xC0;
	v1 =	vld [tilespmem:s16+$0x3400];
	v5 =	vadd.f32 v8, v5;
	v6 =	vadd.f32 v6, v7  }
.LBB2_6:
0x50: {  	p0 =	sne.s32 s17, $0x7C0;
	v7 =	vld [tilespmem:s16+$0x3600]  }
0x51: {  	v3 =	vadd.f32 v3, v5;
	v5 =	vld [tilespmem:s14+$0x5200];
	v2 =	vadd.f32 v2, v6  }
0x52: {  	v6 =	vld [tilespmem:s16+$0x3800]  }
0x53: {  	v3 =	vadd.f32 v4, v3;
	v4 =	vld [tilespmem:s14+$0x5400];
	[tilespmem:s15+$0x6800] =	vst v2;
	s15 =	smov.u32 s14;
	s14 =	smov.u32 s16  }
0x54: {  	v2 =	vld [tilespmem:s14+$0x3A00]  }
0x55: {  	v1 =	vadd.f32 v7, v1;
	v0 =	vadd.f32 v0, v3;
	v3 =	vld [tilespmem:s15+$0x5600]  }
0x56: {  	v7 =	vld [tilespmem:s14+$0x3C00]  }
0x57: {  	v1 =	vadd.f32 v6, v1;
	v0 =	vadd.f32 v5, v0;
	v5 =	vld [tilespmem:s15+$0x5800]  }
0x58: {  	v6 =	vld [tilespmem:s14+$0x3E00]  }
0x59: {  	v1 =	vadd.f32 v2, v1;
	v0 =	vadd.f32 v4, v0;
	v2 =	vld [tilespmem:s15+$0x5A00]  }
0x5a: {  	v4 =	vld [tilespmem:s14+$0x4000]  }
0x5b: {  	v1 =	vadd.f32 v7, v1;
	v0 =	vadd.f32 v3, v0;
	v3 =	vld [tilespmem:s15+$0x5C00]  }
0x5c: {  	v7 =	vld [tilespmem:s14+$0x4200]  }
0x5d: {  	v1 =	vadd.f32 v6, v1;
	v0 =	vadd.f32 v5, v0;
	v5 =	vld [tilespmem:s15+$0x5E00]  }
0x5e: {  	v6 =	vld [tilespmem:s14+$0x4400]  }
0x5f: {  	v1 =	vadd.f32 v4, v1;
	v0 =	vadd.f32 v2, v0;
	v2 =	vld [tilespmem:s15+$0x6000]  }
0x60: {  	v4 =	vld [tilespmem:s14+$0x4600]  }
0x61: {  	v1 =	vadd.f32 v7, v1;
	v0 =	vadd.f32 v3, v0;
	v7 =	vld [tilespmem:s15+$0x6200]  }
0x62: {  	v8 =	vld [tilespmem:s14+$0x4800]  }
0x63: {  	v1 =	vadd.f32 v6, v1;
	v0 =	vadd.f32 v5, v0;
	v6 =	vld [tilespmem:s15+$0x6400]  }
0x64: {  	v5 =	vld [tilespmem:s14+$0x4A00]  }
.Ltmp2:
0x65: {  	v1 =	vadd.f32 v4, v1;
	v4 =	vadd.f32 v2, v0;
	v2 =	vld [tilespmem:s15+$0x6600];
	(pc) =	sbr.rel @p0 .LBB2_6-.Ltmp2, $4  }
0x66: {  	v3 =	vld [tilespmem:s14+$0x4C00]  }
0x67: {  	v8 =	vadd.f32 v8, v1;
	v0 =	vld [tilespmem:s14+$0x5000];
	v7 =	vadd.f32 v7, v4  }
0x68: {  	s16 =	sshra.s32 s17, $0x2;
	v4 =	vld [tilespmem:s14+$0x4E00]  }
0x69: {  	s17 =	sadd.s32 $0x40, s17;
	v1 =	vld [tilespmem:s16+$0x3400];
	v5 =	vadd.f32 v5, v8;
	v6 =	vadd.f32 v6, v7  }
0x6a: {  	v7 =	vld [tilespmem:s16+$0x3600]  }
0x6b: {  	v8 =	vld [tilespmem:s14+$0x5200];
	v2 =	vadd.f32 v2, v6  }
0x6c: {  	v31 =	vld [tilespmem:s16+$0x3800]  }
0x6d: {  	v9 =	vld [tilespmem:s14+$0x5400];
	v3 =	vadd.f32 v3, v5;
	[tilespmem:s15+$0x6800] =	vst v2  }
0x6e: {  	v2 =	vld [tilespmem:s16+$0x3A00]  }
0x6f: {  	v3 =	vadd.f32 v4, v3;
	v1 =	vadd.f32 v7, v1  }
0x70: {  	v32 =	vld [tilespmem:s16+$0x3C00]  }
0x71: {  	v33 =	vld [tilespmem:s14+$0x5600];
	v0 =	vadd.f32 v0, v3;
	v1 =	vadd.f32 v31, v1  }
0x72: {  	v34 =	vld [tilespmem:s16+$0x3E00]  }
0x73: {  	v35 =	vld [tilespmem:s14+$0x5800];
	v0 =	vadd.f32 v8, v0;
	v1 =	vadd.f32 v2, v1  }
0x74: {  	v36 =	vld [tilespmem:s16+$0x4000]  }
0x75: {  	v37 =	vld [tilespmem:s14+$0x5A00];
	v0 =	vadd.f32 v9, v0;
	v1 =	vadd.f32 v32, v1  }
0x76: {  	v38 =	vld [tilespmem:s16+$0x4200]  }
0x77: {  	v39 =	vld [tilespmem:s14+$0x5C00];
	v0 =	vadd.f32 v33, v0;
	v1 =	vadd.f32 v34, v1  }
0x78: {  	v40 =	vld [tilespmem:s16+$0x4400]  }
0x79: {  	v41 =	vld [tilespmem:s14+$0x5E00];
	v0 =	vadd.f32 v35, v0;
	v1 =	vadd.f32 v36, v1  }
0x7a: {  	v42 =	vld [tilespmem:s16+$0x4600]  }
0x7b: {  	v43 =	vld [tilespmem:s14+$0x6000];
	v0 =	vadd.f32 v37, v0;
	v1 =	vadd.f32 v38, v1  }
0x7c: {  	v44 =	vld [tilespmem:s16+$0x4800]  }
0x7d: {  	v45 =	vld [tilespmem:s14+$0x6200];
	v0 =	vadd.f32 v39, v0;
	v1 =	vadd.f32 v40, v1  }
0x7e: {  	v46 =	vld [tilespmem:s16+$0x4A00]  }
0x7f: {  	v47 =	vld [tilespmem:s14+$0x6400];
	v0 =	vadd.f32 v41, v0;
	v1 =	vadd.f32 v42, v1  }
0x80: {  	v48 =	vld [tilespmem:s16+$0x4C00]  }
0x81: {  	v49 =	vld [tilespmem:s14+$0x6600];
	v0 =	vadd.f32 v43, v0;
	v1 =	vadd.f32 v44, v1  }
0x82: {  	v50 =	vld [tilespmem:s16+$0x4E00]  }
0x83: {  	v0 =	vadd.f32 v45, v0;
	v1 =	vadd.f32 v46, v1  }
0x84: {  	v51 =	vld [tilespmem:s16+$0x5000]  }
0x85: {  	v0 =	vadd.f32 v47, v0;
	v1 =	vadd.f32 v48, v1  }
0x86: {  	v52 =	vld [tilespmem:s16+$0x5200]  }
0x87: {  	v0 =	vadd.f32 v49, v0;
	v1 =	vadd.f32 v50, v1  }
0x88: {  	v53 =	vld [tilespmem:s16+$0x5400]  }
0x89: {  	[tilespmem:s14+$0x6800] =	vst v0;
	v54 =	vadd.f32 v51, v1  }
0x8a: {  	v55 =	vld [tilespmem:s16+$0x5600]  }
0x8b: {  	v0 =	vadd.f32 v52, v54  }
0x8c: {  	v56 =	vld [tilespmem:s16+$0x5800]  }
0x8d: {  	v0 =	vadd.f32 v53, v0  }
0x8e: {  	v57 =	vld [tilespmem:s16+$0x5A00]  }
0x8f: {  	v0 =	vadd.f32 v55, v0  }
0x90: {  	v58 =	vld [tilespmem:s16+$0x5C00]  }
0x91: {  	v0 =	vadd.f32 v56, v0  }
0x92: {  	v59 =	vld [tilespmem:s16+$0x5E00]  }
0x93: {  	v0 =	vadd.f32 v57, v0  }
0x94: {  	v60 =	vld [tilespmem:s16+$0x6000]  }
0x95: {  	v0 =	vadd.f32 v58, v0  }
0x96: {  	v61 =	vld [tilespmem:s16+$0x6200]  }
0x97: {  	v0 =	vadd.f32 v59, v0  }
0x98: {  	v62 =	vld [tilespmem:s16+$0x6400]  }
0x99: {  	v0 =	vadd.f32 v60, v0  }
0x9a: {  	v63 =	vld [tilespmem:s16+$0x6600]  }
0x9b: {  	v0 =	vadd.f32 v61, v0;
	_ =	sdelay $0x1  }
0x9c: {  	v0 =	vadd.f32 v62, v0;
	_ =	sdelay $0x1  }
0x9d: {  	s13 =	sadd.s32 $0x1, s13;
	v0 =	vadd.f32 v63, v0  }
0x9e: {  	p0 =	sne.s32 s13, s6  }
.Ltmp3:
0x9f: {  	[tilespmem:s16+$0x6800] =	vst v0;
	(pc) =	sbr.rel @p0 .LBB2_1-.Ltmp3, $4  }
0xa0: {  	[hbm4b:s5+s2] =	stream.linear.scatter [tilespmem:s12], [sflag:$0x2], $0x200, $0x38;
	[tilespmem:$0x6A00] =	vst v63  }
0xa1: {  	_ =	swait.ge [sflag:s9], $0x200  }
0xa2: {  	[sflag:s9] =	ssyncset.done $0x0  }
0xa3: {  	[sflag:s9] =	ssyncadd.s32 $0xFFFFFE00  }
0xa4: {  	_ =	sfence.sel $0x180000  }
0xa5: {  	[bflag:$0x0] =	sbarrier.arrive $0xFFFF  }
0xa6: {  	p0 =	sne.s32 s1, $0x0;
	_ =	strace $0x90000047  }
0xa7: {  	s0 =	sadd.s32 @!p0 $0x100000, s0;
	[bflag:$0x2] =	sbarrier.arrive $0xFFFF  }
0xa8: {  	[sflag:s0] =	ssyncadd.tile.s32 @!p0 $0x1;
	_ =	shalt  }
.Lfunc_end2:
_tile_overlayer_lowered:
.L_overlay_start_2:
0xa9: {  	(tag) =	ssettag $0x2  }
0xaa: {  	s0 =	rddreg [dreg:$0x0];
	s2 =	stileid.u32  }
0xab: {  	s1 =	rddreg [dreg:$0x1];
	p0 =	sne.s32 s2, $0x0  }
0xac: {  	s3 =	rddreg [dreg:$0x2];
	[bflag:$0x3] =	sbarrier.arrive $0xFFFF;
	s2 =	simm.s32 @!p0 $0x1C02  }
0xad: {  	[timem:s3], [sflag:s2] =	dma.local @!p0 [hbm:s0], s1  }
0xae: {  	s0 =	simm.s32 @!p0 $0x2  }
0xaf: {  	_ =	swait.ge @!p0 [sflag:s0], s1  }
0xb0: {  	s1 =	ssub.s32 @!p0 $0x0, s1;
	[sflag:s0] =	ssyncset.done @!p0 $0x0  }
0xb1: {  	[sflag:s0] =	ssyncadd.s32 @!p0 s1  }
0xb2: {  	[bflag:$0x3] =	sbarrier.arrive $0xFFFF  }
0xb3: {  	_ =	shalt  }

</sc_bundles>
